<compile_context>
chip_gen: v7x
topology: tpu7x:2x2x1
jax: 0.10.2.dev20260603
libtpu: 0.0.44.dev20260713+nightly
codegen_flags: <defaults>
</compile_context>

<pallas_src>
import jax
import jax.numpy as jnp
from jax import lax
from jax.experimental import pallas as pl
from jax.experimental.pallas import tpu as pltpu
from jax.experimental.pallas import tpu_sc as plsc

_B, _S, _D = 4, 8192, 768
_N = 16
_NG = 3
_KC, _KQK, _KV = 8, 4, 6
_TS = 4096
_SC_CORES = 2
_TASKS = _NG * _B


def _stream_body(x_ref, imp_ref, w_ref, g48_ref, dw_ref, acc_ref):
    s = pl.program_id(1)
    ns = pl.num_programs(1)

    @pl.when(s == 0)
    def _init():
        acc_ref[...] = jnp.zeros_like(acc_ref)

    xt = x_ref[0]
    logits = jnp.dot(xt, w_ref[...], preferred_element_type=jnp.float32)
    e = jnp.exp(logits)
    ehi = e.astype(jnp.bfloat16)
    elo = (e - ehi.astype(jnp.float32)).astype(jnp.bfloat16)
    g48b = g48_ref[...]
    d = (jnp.dot(ehi, g48b, preferred_element_type=jnp.float32)
         + jnp.dot(elo, g48b, preferred_element_type=jnp.float32))
    p = e * (1.0 / d)
    imp = imp_ref[0, 0]
    acc_ref[...] += jnp.dot(imp, p, preferred_element_type=jnp.float32,
                            precision=jax.lax.Precision.HIGHEST)

    @pl.when(s == ns - 1)
    def _finish():
        dw_ref[...] = acc_ref[...].reshape(1, 1, _NG * _N)


def _sc_topk_body(dense_hbm, out_hbm, vin, wbuf, ibuf, rankbuf, tbuf):
    wid = lax.axis_index("s") * _SC_CORES + lax.axis_index("c")

    @pl.when(wid < _TASKS)
    def _():
        g = wid // _B
        b = wid - g * _B
        pltpu.sync_copy(dense_hbm.at[pl.ds((b * _NG + g) * _N, _N)], vin)
        v0 = vin[...]
        klim = jnp.where(g == 0, _KC, jnp.where(g == 1, _KQK, _KV))
        iota = lax.broadcasted_iota(jnp.int32, (_N,), 0)
        _, si = plsc.sort_key_val(v0, iota, descending=True)
        plsc.store_scatter(rankbuf, [si], iota)
        mask = rankbuf[...] < klim
        contrib = jnp.where(mask, v0, 0.0)
        t = contrib
        for sh in (1, 2, 4, 8):
            tbuf[...] = t
            t = t + plsc.load_gather(tbuf, [iota ^ sh])
        wbuf[...] = plsc.bitcast(contrib / (t + 1e-8), jnp.int32)
        ibuf[...] = si
        pltpu.sync_copy(wbuf, out_hbm.at[pl.ds(wid * _N, _N)])
        pltpu.sync_copy(ibuf, out_hbm.at[pl.ds((_TASKS + wid) * _N, _N)])


def kernel(x, importance, Wc, Wqk, Wv):
    ns = _S // _TS
    w = jnp.concatenate([Wc, Wqk, Wv], axis=0).T
    imp = importance.reshape(_B, ns, 1, _TS)
    lanes = jnp.arange(_NG * _N)
    g48 = (lanes[:, None] // _N == lanes[None, :] // _N).astype(jnp.bfloat16)

    dense = pl.pallas_call(
        _stream_body,
        grid=(_B, ns),
        in_specs=[
            pl.BlockSpec((1, _TS, _D), lambda b, s: (b, s, 0)),
            pl.BlockSpec((1, 1, 1, _TS), lambda b, s: (b, s, 0, 0)),
            pl.BlockSpec((_D, _NG * _N), lambda b, s: (0, 0)),
            pl.BlockSpec((_NG * _N, _NG * _N), lambda b, s: (0, 0)),
        ],
        out_specs=pl.BlockSpec((1, 1, _NG * _N), lambda b, s: (b, 0, 0)),
        out_shape=jax.ShapeDtypeStruct((_B, 1, _NG * _N), jnp.float32),
        scratch_shapes=[pltpu.VMEM((1, _NG * _N), jnp.float32)],
        compiler_params=pltpu.CompilerParams(
            dimension_semantics=("parallel", "arbitrary"),
        ),
    )(x, imp, w, g48)

    sc_topk = pl.kernel(
        _sc_topk_body,
        out_type=jax.ShapeDtypeStruct((2 * _TASKS * _N,), jnp.int32),
        mesh=plsc.VectorSubcoreMesh(core_axis_name="c", subcore_axis_name="s"),
        scratch_types=[pltpu.VMEM((_N,), jnp.float32),
                       pltpu.VMEM((_N,), jnp.int32),
                       pltpu.VMEM((_N,), jnp.int32),
                       pltpu.VMEM((_N,), jnp.int32),
                       pltpu.VMEM((_N,), jnp.float32)],
        compiler_params=pltpu.CompilerParams(needs_layout_passes=False),
    )
    out = sc_topk(dense.reshape(_B * _NG * _N))
    w3 = jax.lax.bitcast_convert_type(
        out[:_TASKS * _N], jnp.float32).reshape(_NG, _B, _N)
    i3 = out[_TASKS * _N:].reshape(_NG, _B, _N)
    return (w3[0], w3[1], w3[2],
            i3[0, :, :_KC], i3[1, :, :_KQK], i3[2, :, :_KV])

# --- scband reference (transcript-rebuilt; emitter-appended) ---
"""Pipeline reference for scband-global-routers-15229954031677 (READ-ONLY COPY).

The authoritative reference and input builder live on the scoring server;
editing this copy changes nothing except your own understanding.
"""

import jax, jax.numpy as jnp
import numpy as np

B, S, D = 4, 8192, 768
NC, NQK, NV = 16, 16, 16
KC, KQK, KV = 8, 4, 6


def setup_inputs(seed: int = 0) -> dict:
    key = jax.random.key(seed)
    k1, k2, k3, k4, k5 = jax.random.split(key, 5)
    x = jax.random.normal(k1, (B, S, D), dtype=jnp.float32)
    importance = jax.random.uniform(k2, (B, S), dtype=jnp.float32)
    scale = 1.0 / np.sqrt(D)
    Wc = jax.random.normal(k3, (NC, D), dtype=jnp.float32) * scale
    Wqk = jax.random.normal(k4, (NQK, D), dtype=jnp.float32) * scale
    Wv = jax.random.normal(k5, (NV, D), dtype=jnp.float32) * scale
    return {"x": x, "importance": importance, "Wc": Wc, "Wqk": Wqk, "Wv": Wv}


def _topk_sparsify(weights, k):
    # torch.topk -> lax.top_k; scatter_ -> .at[...].set; then renormalize
    topk_vals, topk_idx = jax.lax.top_k(weights, k)
    b = weights.shape[0]
    sparse = jnp.zeros_like(weights).at[jnp.arange(b)[:, None], topk_idx].set(topk_vals)
    sparse = sparse / (jnp.sum(sparse, axis=-1, keepdims=True) + 1e-08)
    return sparse, topk_idx


def reference(x, importance, Wc, Wqk, Wv):
    # get_attention_weights with token_routing=False, dropout in eval (identity)
    compress_logits = jnp.einsum('bsd,nd->bsn', x, Wc)
    compress_pref = jax.nn.softmax(compress_logits, axis=-1)
    expand_logits_QK = jnp.einsum('bsd,nd->bsn', x, Wqk)
    expand_logits_V = jnp.einsum('bsd,nd->bsn', x, Wv)
    expand_pref_QK = jax.nn.softmax(expand_logits_QK, axis=-1)
    expand_pref_V = jax.nn.softmax(expand_logits_V, axis=-1)

    compress_weights_dense = jnp.einsum('bs,bsn->bn', importance, compress_pref)
    expand_weights_QK_dense = jnp.einsum('bs,bsn->bn', importance, expand_pref_QK)
    expand_weights_V_dense = jnp.einsum('bs,bsn->bn', importance, expand_pref_V)

    compress_weights, compress_topk_idx = _topk_sparsify(compress_weights_dense, KC)
    expand_weights_QK, expand_topk_idx_QK = _topk_sparsify(expand_weights_QK_dense, KQK)
    expand_weights_V, expand_topk_idx_V = _topk_sparsify(expand_weights_V_dense, KV)

    return (compress_weights, expand_weights_QK, expand_weights_V,
            compress_topk_idx, expand_topk_idx_QK, expand_topk_idx_V)

if __name__ == "__main__":
    import jax
    _d = setup_inputs()
    print(jax.jit(kernel)(*tuple(_d.values())))

</pallas_src>

<mosaic_0001>
#map = affine_map<(d0, d1) -> (0)>
module attributes {stable_mosaic.version = 14 : i64} {
  func.func @_sc_topk_body(%arg0: i32, %arg1: i32, %arg2: memref<192xf32, #tpu.memory_space<hbm>>, %arg3: memref<384xi32, #tpu.memory_space<hbm>>, %arg4: memref<16xf32, #tpu.memory_space<vmem>>, %arg5: memref<16xi32, #tpu.memory_space<vmem>>, %arg6: memref<16xi32, #tpu.memory_space<vmem>>, %arg7: memref<16xi32, #tpu.memory_space<vmem>>, %arg8: memref<16xf32, #tpu.memory_space<vmem>>) attributes {dimension_semantics = [#tpu.dimension_semantics<core_parallel>, #tpu.dimension_semantics<subcore_parallel>], iteration_bounds = array<i64: 2, 16>, scalar_prefetch = 0 : i64, scratch_operands = 5 : i64, tpu.core_type = #tpu.core_type<sc_vector_subcore>, window_params = [{transform_indices = #map}, {transform_indices = #map}]} {
    %mul3A = arith.constant 2 : i32
    %mul3A_0 = arith.muli %arg1, %mul3A : i32
    %add3A = arith.addi %mul3A_0, %arg0 : i32
    %lt3A = arith.constant 12 : i32
    %lt3A_1 = arith.cmpi slt, %add3A, %lt3A : i32
    %convert_element_type3A = arith.extui %lt3A_1 : i1 to i32
    %cond3A = arith.constant 0 : i32
    %cond3A_2 = arith.cmpi ne, %convert_element_type3A, %cond3A : i32
    scf.if %cond3A_2 {
      %jit3A = arith.constant 4 : i32
      %div3A = arith.divsi %add3A, %jit3A : i32
      %sign3A = arith.constant 0 : i32
      %sign3A_3 = arith.cmpi sgt, %add3A, %sign3A : i32
      %sign3A_4 = arith.extui %sign3A_3 : i1 to i32
      %sign3A_5 = arith.constant 0 : i32
      %sign3A_6 = arith.cmpi slt, %add3A, %sign3A_5 : i32
      %sign3A_7 = arith.extui %sign3A_6 : i1 to i32
      %sign3A_8 = arith.subi %sign3A_4, %sign3A_7 : i32
      %sign3A_9 = arith.constant 0 : i32
      %sign3A_10 = arith.cmpi sgt, %jit3A, %sign3A_9 : i32
      %sign3A_11 = arith.extui %sign3A_10 : i1 to i32
      %sign3A_12 = arith.constant 0 : i32
      %sign3A_13 = arith.cmpi slt, %jit3A, %sign3A_12 : i32
      %sign3A_14 = arith.extui %sign3A_13 : i1 to i32
      %sign3A_15 = arith.subi %sign3A_11, %sign3A_14 : i32
      %ne3A = arith.cmpi ne, %sign3A_8, %sign3A_15 : i32
      %rem3A = arith.remsi %add3A, %jit3A : i32
      %ne3A_16 = arith.constant 0 : i32
      %ne3A_17 = arith.cmpi ne, %rem3A, %ne3A_16 : i32
      %and3A = arith.andi %ne3A, %ne3A_17 : i1
      %sub3A = arith.constant 1 : i32
      %sub3A_18 = arith.subi %div3A, %sub3A : i32
      %select_n3A = arith.select %and3A, %sub3A_18, %div3A : i32
      %mul3A_19 = arith.constant 4 : i32
      %mul3A_20 = arith.muli %select_n3A, %mul3A_19 : i32
      %sub3A_21 = arith.subi %add3A, %mul3A_20 : i32
      %mul3A_22 = arith.constant 3 : i32
      %mul3A_23 = arith.muli %sub3A_21, %mul3A_22 : i32
      %add3A_24 = arith.addi %mul3A_23, %select_n3A : i32
      %mul3A_25 = arith.constant 16 : i32
      %mul3A_26 = arith.muli %add3A_24, %mul3A_25 : i32
      "tpu.region"() ({
        %run_scoped3A = tpu.sem_alloc : memref<!tpu.dma_semaphore, #tpu.memory_space<semaphore_mem>>
        %dma_start3A = tpu.memref_slice %arg2[%mul3A_26] : memref<192xf32, #tpu.memory_space<hbm>> -> memref<16xf32, #tpu.memory_space<hbm>>
        %dma_start3A_84 = tpu.memref_slice %arg2[%mul3A_26] : memref<192xf32, #tpu.memory_space<hbm>> -> memref<16xf32, #tpu.memory_space<hbm>>
        tpu.enqueue_dma source(%dma_start3A_84 : memref<16xf32, #tpu.memory_space<hbm>>) target(%arg4 : memref<16xf32, #tpu.memory_space<vmem>>) target_semaphore(%run_scoped3A : memref<!tpu.dma_semaphore, #tpu.memory_space<semaphore_mem>>)
        %dma_wait3A = tpu.memref_slice %arg2[%mul3A_26] : memref<192xf32, #tpu.memory_space<hbm>> -> memref<16xf32, #tpu.memory_space<hbm>>
        %dma_wait3A_85 = tpu.memref_slice %arg2[%mul3A_26] : memref<192xf32, #tpu.memory_space<hbm>> -> memref<16xf32, #tpu.memory_space<hbm>>
        tpu.wait_dma2 semaphore(%run_scoped3A : memref<!tpu.dma_semaphore, #tpu.memory_space<semaphore_mem>>) src(%dma_wait3A_85 : memref<16xf32, #tpu.memory_space<hbm>>) dst(%arg4 : memref<16xf32, #tpu.memory_space<vmem>>)
        tpu.yield
      }) : () -> ()
      %get3A = arith.constant 0 : index
      %get3A_27 = tpu.vector_load %arg4[%get3A] {strides = array<i32>} : memref<16xf32, #tpu.memory_space<vmem>>, vector<16xf32>,
      %eq3A = arith.constant 0 : i32
      %eq3A_28 = arith.cmpi eq, %select_n3A, %eq3A : i32
      %eq3A_29 = arith.constant 1 : i32
      %eq3A_30 = arith.cmpi eq, %select_n3A, %eq3A_29 : i32
      %jit3A_31 = arith.constant 4 : i32
      %jit3A_32 = arith.constant 6 : i32
      %select_n3A_33 = arith.select %eq3A_30, %jit3A_31, %jit3A_32 : i32
      %jit3A_34 = arith.constant 8 : i32
      %select_n3A_35 = arith.select %eq3A_28, %jit3A_34, %select_n3A_33 : i32
      %iota3A = tpu.iota {dimensions = array<i32: 0>} : vector<16xi32>
      %masked_sort3A = arith.constant dense<true> : vector<16xi1>
      %masked_sort3A_36, %masked_sort3A_37, %masked_sort3A_38 = tpu.sort %get3A_27, %iota3A masked %masked_sort3A {descending = true} : (vector<16xf32>, vector<16xi32>, vector<16xi1>) -> (vector<16xi1>, vector<16xf32>, vector<16xi32>)
      tpu.vector_store_idx %arg7[%masked_sort3A_38], %iota3A : memref<16xi32, #tpu.memory_space<vmem>>[vector<16xi32>], vector<16xi32>,
      %get3A_39 = arith.constant 0 : index
      %get3A_40 = tpu.vector_load %arg7[%get3A_39] {strides = array<i32>} : memref<16xi32, #tpu.memory_space<vmem>>, vector<16xi32>,
      %lt3A_41 = vector.broadcast %select_n3A_35 : i32 to vector<16xi32>
      %lt3A_42 = arith.cmpi slt, %get3A_40, %lt3A_41 : vector<16xi32>
      %jit3A_43 = arith.constant 0.000000e+00 : f32
      %broadcast_in_dim3A = vector.broadcast %jit3A_43 : f32 to vector<16xf32>
      %select_n3A_44 = arith.select %lt3A_42, %get3A_27, %broadcast_in_dim3A : vector<16xi1>, vector<16xf32>
      %swap3A = arith.constant 0 : index
      %swap3A_45 = tpu.vector_load %arg8[%swap3A] {strides = array<i32>} : memref<16xf32, #tpu.memory_space<vmem>>, vector<16xf32>,
      tpu.vector_store %arg8[%swap3A], %select_n3A_44 {strides = array<i32>} : memref<16xf32, #tpu.memory_space<vmem>>, vector<16xf32>,
      %xor3A = arith.constant 1 : i32
      %xor3A_46 = vector.broadcast %xor3A : i32 to vector<16xi32>
      %xor3A_47 = arith.xori %iota3A, %xor3A_46 : vector<16xi32>
      %gather3A = tpu.vector_load_idx %arg8[%xor3A_47] : memref<16xf32, #tpu.memory_space<vmem>>[vector<16xi32>], vector<16xf32>,
      %add3A_48 = arith.addf %select_n3A_44, %gather3A : vector<16xf32>
      %swap3A_49 = arith.constant 0 : index
      %swap3A_50 = tpu.vector_load %arg8[%swap3A_49] {strides = array<i32>} : memref<16xf32, #tpu.memory_space<vmem>>, vector<16xf32>,
      tpu.vector_store %arg8[%swap3A_49], %add3A_48 {strides = array<i32>} : memref<16xf32, #tpu.memory_space<vmem>>, vector<16xf32>,
      %xor3A_51 = arith.constant 2 : i32
      %xor3A_52 = vector.broadcast %xor3A_51 : i32 to vector<16xi32>
      %xor3A_53 = arith.xori %iota3A, %xor3A_52 : vector<16xi32>
      %gather3A_54 = tpu.vector_load_idx %arg8[%xor3A_53] : memref<16xf32, #tpu.memory_space<vmem>>[vector<16xi32>], vector<16xf32>,
      %add3A_55 = arith.addf %add3A_48, %gather3A_54 : vector<16xf32>
      %swap3A_56 = arith.constant 0 : index
      %swap3A_57 = tpu.vector_load %arg8[%swap3A_56] {strides = array<i32>} : memref<16xf32, #tpu.memory_space<vmem>>, vector<16xf32>,
      tpu.vector_store %arg8[%swap3A_56], %add3A_55 {strides = array<i32>} : memref<16xf32, #tpu.memory_space<vmem>>, vector<16xf32>,
      %xor3A_58 = arith.constant 4 : i32
      %xor3A_59 = vector.broadcast %xor3A_58 : i32 to vector<16xi32>
      %xor3A_60 = arith.xori %iota3A, %xor3A_59 : vector<16xi32>
      %gather3A_61 = tpu.vector_load_idx %arg8[%xor3A_60] : memref<16xf32, #tpu.memory_space<vmem>>[vector<16xi32>], vector<16xf32>,
      %add3A_62 = arith.addf %add3A_55, %gather3A_61 : vector<16xf32>
      %swap3A_63 = arith.constant 0 : index
      %swap3A_64 = tpu.vector_load %arg8[%swap3A_63] {strides = array<i32>} : memref<16xf32, #tpu.memory_space<vmem>>, vector<16xf32>,
      tpu.vector_store %arg8[%swap3A_63], %add3A_62 {strides = array<i32>} : memref<16xf32, #tpu.memory_space<vmem>>, vector<16xf32>,
      %xor3A_65 = arith.constant 8 : i32
      %xor3A_66 = vector.broadcast %xor3A_65 : i32 to vector<16xi32>
      %xor3A_67 = arith.xori %iota3A, %xor3A_66 : vector<16xi32>
      %gather3A_68 = tpu.vector_load_idx %arg8[%xor3A_67] : memref<16xf32, #tpu.memory_space<vmem>>[vector<16xi32>], vector<16xf32>,
      %add3A_69 = arith.addf %add3A_62, %gather3A_68 : vector<16xf32>
      %add3A_70 = arith.constant 9.99999993E-9 : f32
      %add3A_71 = vector.broadcast %add3A_70 : f32 to vector<16xf32>
      %add3A_72 = arith.addf %add3A_69, %add3A_71 : vector<16xf32>
      %div3A_73 = arith.divf %select_n3A_44, %add3A_72 : vector<16xf32>
      %bitcast3A = vector.bitcast %div3A_73 : vector<16xf32> to vector<16xi32>
      %swap3A_74 = arith.constant 0 : index
      %swap3A_75 = tpu.vector_load %arg5[%swap3A_74] {strides = array<i32>} : memref<16xi32, #tpu.memory_space<vmem>>, vector<16xi32>,
      tpu.vector_store %arg5[%swap3A_74], %bitcast3A {strides = array<i32>} : memref<16xi32, #tpu.memory_space<vmem>>, vector<16xi32>,
      %swap3A_76 = arith.constant 0 : index
      %swap3A_77 = tpu.vector_load %arg6[%swap3A_76] {strides = array<i32>} : memref<16xi32, #tpu.memory_space<vmem>>, vector<16xi32>,
      tpu.vector_store %arg6[%swap3A_76], %masked_sort3A_38 {strides = array<i32>} : memref<16xi32, #tpu.memory_space<vmem>>, vector<16xi32>,
      %mul3A_78 = arith.constant 16 : i32
      %mul3A_79 = arith.muli %add3A, %mul3A_78 : i32
      "tpu.region"() ({
        %run_scoped3A = tpu.sem_alloc : memref<!tpu.dma_semaphore, #tpu.memory_space<semaphore_mem>>
        %dma_start3A = tpu.memref_slice %arg3[%mul3A_79] : memref<384xi32, #tpu.memory_space<hbm>> -> memref<16xi32, #tpu.memory_space<hbm>>
        %dma_start3A_84 = tpu.memref_slice %arg3[%mul3A_79] : memref<384xi32, #tpu.memory_space<hbm>> -> memref<16xi32, #tpu.memory_space<hbm>>
        tpu.enqueue_dma source(%arg5 : memref<16xi32, #tpu.memory_space<vmem>>) target(%dma_start3A_84 : memref<16xi32, #tpu.memory_space<hbm>>) target_semaphore(%run_scoped3A : memref<!tpu.dma_semaphore, #tpu.memory_space<semaphore_mem>>)
        %dma_wait3A = tpu.memref_slice %arg3[%mul3A_79] : memref<384xi32, #tpu.memory_space<hbm>> -> memref<16xi32, #tpu.memory_space<hbm>>
        %dma_wait3A_85 = tpu.memref_slice %arg3[%mul3A_79] : memref<384xi32, #tpu.memory_space<hbm>> -> memref<16xi32, #tpu.memory_space<hbm>>
        tpu.wait_dma2 semaphore(%run_scoped3A : memref<!tpu.dma_semaphore, #tpu.memory_space<semaphore_mem>>) src(%arg5 : memref<16xi32, #tpu.memory_space<vmem>>) dst(%dma_wait3A_85 : memref<16xi32, #tpu.memory_space<hbm>>)
        tpu.yield
      }) : () -> ()
      %add3A_80 = arith.constant 12 : i32
      %add3A_81 = arith.addi %add3A_80, %add3A : i32
      %mul3A_82 = arith.constant 16 : i32
      %mul3A_83 = arith.muli %add3A_81, %mul3A_82 : i32
      "tpu.region"() ({
        %run_scoped3A = tpu.sem_alloc : memref<!tpu.dma_semaphore, #tpu.memory_space<semaphore_mem>>
        %dma_start3A = tpu.memref_slice %arg3[%mul3A_83] : memref<384xi32, #tpu.memory_space<hbm>> -> memref<16xi32, #tpu.memory_space<hbm>>
        %dma_start3A_84 = tpu.memref_slice %arg3[%mul3A_83] : memref<384xi32, #tpu.memory_space<hbm>> -> memref<16xi32, #tpu.memory_space<hbm>>
        tpu.enqueue_dma source(%arg6 : memref<16xi32, #tpu.memory_space<vmem>>) target(%dma_start3A_84 : memref<16xi32, #tpu.memory_space<hbm>>) target_semaphore(%run_scoped3A : memref<!tpu.dma_semaphore, #tpu.memory_space<semaphore_mem>>)
        %dma_wait3A = tpu.memref_slice %arg3[%mul3A_83] : memref<384xi32, #tpu.memory_space<hbm>> -> memref<16xi32, #tpu.memory_space<hbm>>
        %dma_wait3A_85 = tpu.memref_slice %arg3[%mul3A_83] : memref<384xi32, #tpu.memory_space<hbm>> -> memref<16xi32, #tpu.memory_space<hbm>>
        tpu.wait_dma2 semaphore(%run_scoped3A : memref<!tpu.dma_semaphore, #tpu.memory_space<semaphore_mem>>) src(%arg6 : memref<16xi32, #tpu.memory_space<vmem>>) dst(%dma_wait3A_85 : memref<16xi32, #tpu.memory_space<hbm>>)
        tpu.yield
      }) : () -> ()
    } else {
    }
    return
  }
}

module attributes {stable_mosaic.version = 14 : i64} {
  func.func @_stream_body(%arg0: i32, %arg1: i32, %arg2: memref<1x4096x768xf32, #tpu.memory_space<vmem>>, %arg3: memref<1x1x1x4096xf32, #tpu.memory_space<vmem>>, %arg4: memref<768x48xf32, #tpu.memory_space<vmem>>, %arg5: memref<48x48xbf16, #tpu.memory_space<vmem>>, %arg6: memref<1x1x48xf32, #tpu.memory_space<vmem>>, %arg7: memref<1x48xf32, #tpu.memory_space<vmem>>) attributes {dimension_semantics = [#tpu.dimension_semantics<parallel>, #tpu.dimension_semantics<arbitrary>], iteration_bounds = array<i64: 4, 2>, scalar_prefetch = 0 : i64, scratch_operands = 1 : i64, tpu.core_type = #tpu.core_type<tc>, window_params = [{transform_indices = @transform_0, window_bounds = array<i64: 1, 4096, 768>}, {transform_indices = @transform_1, window_bounds = array<i64: 1, 1, 1, 4096>}, {pipeline_mode = #tpu.pipeline_mode<synchronous>, transform_indices = @transform_2, window_bounds = array<i64: 768, 48>}, {pipeline_mode = #tpu.pipeline_mode<synchronous>, transform_indices = @transform_3, window_bounds = array<i64: 48, 48>}, {transform_indices = @transform_4, window_bounds = array<i64: 1, 1, 48>}]} {
    %eq3A = arith.constant 0 : i32
    %eq3A_0 = arith.cmpi eq, %arg1, %eq3A : i32
    %convert_element_type3A = arith.extui %eq3A_0 : i1 to i32
    %cond3A = arith.constant 0 : i32
    %cond3A_1 = arith.cmpi ne, %convert_element_type3A, %cond3A : i32
    scf.if %cond3A_1 {
      %broadcast_in_dim3A = arith.constant 0.000000e+00 : f32
      %broadcast_in_dim3A_41 = vector.broadcast %broadcast_in_dim3A : f32 to vector<1x48xf32>
      %swap3A_42 = arith.constant 0 : index
      %swap3A_43 = arith.constant 0 : index
      %swap3A_44 = vector.load %arg7[%swap3A_42, %swap3A_43] : memref<1x48xf32, #tpu.memory_space<vmem>>, vector<1x48xf32>
      tpu.vector_store %arg7[%swap3A_42, %swap3A_43], %broadcast_in_dim3A_41 {strides = array<i32>} : memref<1x48xf32, #tpu.memory_space<vmem>>, vector<1x48xf32>,
    } else {
    }
    %get3A = arith.constant 0 : index
    %get3A_2 = arith.constant 0 : index
    %get3A_3 = arith.constant 0 : index
    %get3A_4 = vector.load %arg2[%get3A, %get3A_2, %get3A_3] : memref<1x4096x768xf32, #tpu.memory_space<vmem>>, vector<1x4096x768xf32>
    %get3A_5 = vector.shape_cast %get3A_4 : vector<1x4096x768xf32> to vector<4096x768xf32>
    %get3A_6 = arith.constant 0 : index
    %get3A_7 = arith.constant 0 : index
    %get3A_8 = vector.load %arg4[%get3A_6, %get3A_7] : memref<768x48xf32, #tpu.memory_space<vmem>>, vector<768x48xf32>
    %dot_general3A = arith.constant dense<0.000000e+00> : vector<4096x48xf32>
    %dot_general3A_9 = tpu.matmul %get3A_5, %get3A_8, %dot_general3A {dimension_numbers = #tpu.dot_dimension_numbers<[1], [0], [0], [1], [0, 0, 1, 1], [], []>, transpose_lhs_hint = false} : vector<4096x768xf32>, vector<768x48xf32>, vector<4096x48xf32> -> vector<4096x48xf32>
    %exp3A = math.exp %dot_general3A_9 : vector<4096x48xf32>
    %convert_element_type3A_10 = arith.truncf %exp3A : vector<4096x48xf32> to vector<4096x48xbf16>
    %convert_element_type3A_11 = arith.extf %convert_element_type3A_10 : vector<4096x48xbf16> to vector<4096x48xf32>
    %sub3A = arith.subf %exp3A, %convert_element_type3A_11 : vector<4096x48xf32>
    %convert_element_type3A_12 = arith.truncf %sub3A : vector<4096x48xf32> to vector<4096x48xbf16>
    %get3A_13 = arith.constant 0 : index
    %get3A_14 = arith.constant 0 : index
    %get3A_15 = vector.load %arg5[%get3A_13, %get3A_14] : memref<48x48xbf16, #tpu.memory_space<vmem>>, vector<48x48xbf16>
    %dot_general3A_16 = arith.constant dense<0.000000e+00> : vector<4096x48xf32>
    %dot_general3A_17 = tpu.matmul %convert_element_type3A_10, %get3A_15, %dot_general3A_16 {dimension_numbers = #tpu.dot_dimension_numbers<[1], [0], [0], [1], [0, 0, 1, 1], [], []>, transpose_lhs_hint = false} : vector<4096x48xbf16>, vector<48x48xbf16>, vector<4096x48xf32> -> vector<4096x48xf32>
    %dot_general3A_18 = arith.constant dense<0.000000e+00> : vector<4096x48xf32>
    %dot_general3A_19 = tpu.matmul %convert_element_type3A_12, %get3A_15, %dot_general3A_18 {dimension_numbers = #tpu.dot_dimension_numbers<[1], [0], [0], [1], [0, 0, 1, 1], [], []>, transpose_lhs_hint = false} : vector<4096x48xbf16>, vector<48x48xbf16>, vector<4096x48xf32> -> vector<4096x48xf32>
    %add3A = arith.addf %dot_general3A_17, %dot_general3A_19 : vector<4096x48xf32>
    %div3A = arith.constant 1.000000e+00 : f32
    %div3A_20 = vector.broadcast %div3A : f32 to vector<4096x48xf32>
    %div3A_21 = arith.divf %div3A_20, %add3A : vector<4096x48xf32>
    %mul3A = arith.mulf %exp3A, %div3A_21 : vector<4096x48xf32>
    %get3A_22 = arith.constant 0 : index
    %get3A_23 = arith.constant 0 : index
    %get3A_24 = arith.constant 0 : index
    %get3A_25 = arith.constant 0 : index
    %get3A_26 = vector.load %arg3[%get3A_22, %get3A_23, %get3A_24, %get3A_25] : memref<1x1x1x4096xf32, #tpu.memory_space<vmem>>, vector<1x1x1x4096xf32>
    %get3A_27 = vector.shape_cast %get3A_26 : vector<1x1x1x4096xf32> to vector<1x4096xf32>
    %get3A_28 = arith.constant 0 : index
    %get3A_29 = arith.constant 0 : index
    %get3A_30 = vector.load %arg7[%get3A_28, %get3A_29] : memref<1x48xf32, #tpu.memory_space<vmem>>, vector<1x48xf32>
    %dot_general3A_31 = arith.constant dense<0.000000e+00> : vector<1x48xf32>
    %dot_general3A_32 = tpu.matmul %get3A_27, %mul3A, %dot_general3A_31 {dimension_numbers = #tpu.dot_dimension_numbers<[1], [0], [0], [1], [0, 0, 1, 1], [], []>, precision = #tpu.contract_precision<fp32>, transpose_lhs_hint = false} : vector<1x4096xf32>, vector<4096x48xf32>, vector<1x48xf32> -> vector<1x48xf32>
    %add3A_33 = arith.addf %get3A_30, %dot_general3A_32 : vector<1x48xf32>
    %swap3A = arith.constant 0 : index
    %swap3A_34 = arith.constant 0 : index
    %swap3A_35 = vector.load %arg7[%swap3A, %swap3A_34] : memref<1x48xf32, #tpu.memory_space<vmem>>, vector<1x48xf32>
    tpu.vector_store %arg7[%swap3A, %swap3A_34], %add3A_33 {strides = array<i32>} : memref<1x48xf32, #tpu.memory_space<vmem>>, vector<1x48xf32>,
    %eq3A_36 = arith.constant 1 : i32
    %eq3A_37 = arith.cmpi eq, %arg1, %eq3A_36 : i32
    %convert_element_type3A_38 = arith.extui %eq3A_37 : i1 to i32
    %cond3A_39 = arith.constant 0 : i32
    %cond3A_40 = arith.cmpi ne, %convert_element_type3A_38, %cond3A_39 : i32
    scf.if %cond3A_40 {
      %get3A_41 = arith.constant 0 : index
      %get3A_42 = arith.constant 0 : index
      %get3A_43 = vector.load %arg7[%get3A_41, %get3A_42] : memref<1x48xf32, #tpu.memory_space<vmem>>, vector<1x48xf32>
      %reshape3A = vector.shape_cast %get3A_43 : vector<1x48xf32> to vector<1x1x48xf32>
      %swap3A_44 = arith.constant 0 : index
      %swap3A_45 = arith.constant 0 : index
      %swap3A_46 = arith.constant 0 : index
      %swap3A_47 = vector.load %arg6[%swap3A_44, %swap3A_45, %swap3A_46] : memref<1x1x48xf32, #tpu.memory_space<vmem>>, vector<1x1x48xf32>
      tpu.vector_store %arg6[%swap3A_44, %swap3A_45, %swap3A_46], %reshape3A {strides = array<i32>} : memref<1x1x48xf32, #tpu.memory_space<vmem>>, vector<1x1x48xf32>,
    } else {
    }
    return
  }
  func.func @transform_0(%arg0: i32, %arg1: i32) -> (i32, i32, i32) {
    %c0_i32 = arith.constant 0 : i32
    %c0_i32_0 = arith.constant 0 : i32
    return %arg0, %arg1, %c0_i32 : i32, i32, i32
  }
  func.func @transform_1(%arg0: i32, %arg1: i32) -> (i32, i32, i32, i32) {
    %c0_i32 = arith.constant 0 : i32
    %c0_i32_0 = arith.constant 0 : i32
    %c0_i32_1 = arith.constant 0 : i32
    return %arg0, %arg1, %c0_i32, %c0_i32_0 : i32, i32, i32, i32
  }
  func.func @transform_2(%arg0: i32, %arg1: i32) -> (i32, i32) {
    %c0_i32 = arith.constant 0 : i32
    %c0_i32_0 = arith.constant 0 : i32
    %c0_i32_1 = arith.constant 0 : i32
    return %c0_i32, %c0_i32_0 : i32, i32
  }
  func.func @transform_3(%arg0: i32, %arg1: i32) -> (i32, i32) {
    %c0_i32 = arith.constant 0 : i32
    %c0_i32_0 = arith.constant 0 : i32
    %c0_i32_1 = arith.constant 0 : i32
    return %c0_i32, %c0_i32_0 : i32, i32
  }
  func.func @transform_4(%arg0: i32, %arg1: i32) -> (i32, i32, i32) {
    %c0_i32 = arith.constant 0 : i32
    %c0_i32_0 = arith.constant 0 : i32
    %c0_i32_1 = arith.constant 0 : i32
    return %arg0, %c0_i32, %c0_i32_0 : i32, i32, i32
  }
}

</mosaic_0001>

<sc_bundles>
// kernel: kernel.4.cloned.1.call-start
scs
__scs_entry_jumppad:
0x0: {  	(pc) =	sbr.rel $0x88, $3  }
0x1: {  	(tag) =	ssettag $0x0;
	lr =	simm.s32 $0x1  }
0x2: {  	[smem:$0x3F9C] =	sst lr;
	_ =	strace $0xD0000000  }
0x3: {  	_ = 	snop  }
0x4: {  	_ = 	snop  }
0x5: {  	_ = 	snop  }
0x6: {  	_ = 	snop  }
0x7: {  	_ = 	snop  }
__scs_overlays_trampoline_lowered:
0x8: {  	[smem:$0x3FAB] =	sst s0  }
0x9: {  	[smem:$0x3FAC] =	sst s1  }
0xa: {  	[smem:$0x3FAD] =	sst s2  }
0xb: {  	[smem:$0x3FAE] =	sst s3  }
0xc: {  	[smem:$0x3FAF] =	sst s4  }
0xd: {  	[smem:$0x3FB0] =	sst s5  }
0xe: {  	[smem:$0x3FB1] =	sst s6  }
0xf: {  	[smem:$0x3FB2] =	sst s7  }
0x10: {  	[smem:$0x3FB3] =	sst s8  }
0x11: {  	[smem:$0x3FB4] =	sst s9;
	s0 =	simm.s32 @!p0 $0x0  }
0x12: {  	s1 =	sld [smem:$0x3F9A];
	s0 =	simm.s32 @p0 $0x1  }
0x13: {  	[smem:$0x3FB5] =	sst s0;
	s0 =	simm.s32 @!p1 $0x0  }
0x14: {  	s2 =	sld [smem:$0x3F99];
	s0 =	simm.s32 @p1 $0x1  }
0x15: {  	[smem:$0x3FB6] =	sst s0;
	s0 =	simm.s32 @!p2 $0x0  }
0x16: {  	s3 =	sld [smem:$0x3FDB];
	s0 =	simm.s32 @p2 $0x1  }
0x17: {  	s4 =	simm.s32 $0x1BF5;
	[smem:$0x3FB8] =	sst s0  }
0x18: {  	s0 =	sld [smem:$0x3F9B];
	_ =	swait.ge [sflag:s4], $0x0  }
0x19: {  	s7 =	sld [smem:$0x3F9C]  }
0x1a: {  	s8 =	sadd.s32 $0xFFFFE003, lr  }
0x1b: {  	s9 =	sadd.s32 $0xFFFFFEF7, lr;
	s5 =	simm.s32 $0xFFFFFFFF;
	p2 =	slt.u32 s8, $0xFFFFF086  }
0x1c: {  	p1 =	slt.u32 s9, $0xF7A;
	s5 =	simm.s32 @!p2 $0x0  }
0x1d: {  	s5 =	simm.s32 @p1 $0x1;
	p0 =	seq.s32 s7, s2  }
0x1e: {  	s7 =	smul.u32 @!p0 $0xF7A, s2;
	p2 =	seq.s32 @!p0 s5, $0x0  }
0x1f: {  	s9 =	smul.u32 $0xF7A, s1;
	s8 =	simm.s32 @!p0 $0x1BF5;
	p2 =	por !p2, p0  }
0x20: {  	[sflag:s8] =	ssyncset.s32 @!p0 $0xFFFFF086;
	s6 =	sadd.s32 @!p0 s3, s7;
	s7 =	simm.s32 @!p0 $0x108  }
0x21: {  	s3 =	sadd.s32 s3, s9;
	s6 =	sadd.s32 @!p0 $0x88, s6;
	s7 =	simm.s32 @p2 $0x1082  }
0x22: {  	[simem:s7], [sflag:s8] =	dma.local @!p0 [hbm:s6], $0xF7A  }
0x23: {  	s9 =	sor.u32 $0xD0000000, s2;
	s6 =	simm.s32 $0x108;
	_ =	swait.ge @!p0 [sflag:s8], $0x0  }
0x24: {  	s3 =	sadd.s32 $0x88, s3;
	s6 =	simm.s32 @!p1 $0x1082;
	[sflag:s4] =	ssyncset.s32 $0xFFFFF086  }
0x25: {  	[simem:s6], [sflag:s4] =	dma.local [hbm:s3], $0xF7A  }
0x26: {  	[smem:$0x3F9C] =	sst s1;
	(tag) =	ssettag s2;
	_ =	strace s9  }
0x27: {  	s1 =	sld [smem:$0x3FAC]  }
0x28: {  	s2 =	sld [smem:$0x3FAD]  }
0x29: {  	s4 =	sld [smem:$0x3FAF]  }
0x2a: {  	p0 =	seq.s32 s5, $0x0;
	s5 =	sld [smem:$0x3FB0]  }
0x2b: {  	s6 =	sld [smem:$0x3FB1]  }
0x2c: {  	s7 =	sld [smem:$0x3FB2]  }
0x2d: {  	s3 =	simm.s32 $0x108;
	s8 =	sld [smem:$0x3FB3]  }
0x2e: {  	s3 =	simm.s32 @!p0 $0x1082;
	s9 =	sld [smem:$0x3FB4]  }
0x2f: {  	lr =	sadd.s32 s0, s3;
	s0 =	sld [smem:$0x3FAB]  }
0x30: {  	s3 =	sld [smem:$0x3FAE]  }
0x31: {  	[smem:$0x3FB7] =	sst s10  }
0x32: {  	s10 =	sld [smem:$0x3FB5];
	_ =	sdelay $0x3  }
0x33: {  	p0 =	seq.s32 s10, $0x1;
	s10 =	sld [smem:$0x3FB7];
	_ =	sdelay $0x3  }
0x34: {  	[smem:$0x3FB7] =	sst s10  }
0x35: {  	s10 =	sld [smem:$0x3FB6];
	_ =	sdelay $0x3  }
0x36: {  	p1 =	seq.s32 s10, $0x1;
	s10 =	sld [smem:$0x3FB7];
	_ =	sdelay $0x3  }
0x37: {  	[smem:$0x3FB7] =	sst s10  }
0x38: {  	s10 =	sld [smem:$0x3FB8]  }
0x39: {  	_ = 	snop;
	(pc) =	sbr.ind lr, $3  }
0x3a: {  	_ = 	snop  }
0x3b: {  	_ = 	snop  }
0x3c: {  	p2 =	seq.s32 s10, $0x1;
	s10 =	sld [smem:$0x3FB7]  }
0x3d: {  	_ =	shalt  }
0x3e: {  	_ =	shalt  }
0x3f: {  	_ =	shalt  }
0x40: {  	_ =	shalt  }
0x41: {  	_ =	shalt  }
0x42: {  	_ =	shalt  }
0x43: {  	_ =	shalt  }
0x44: {  	_ =	shalt  }
0x45: {  	_ =	shalt  }
0x46: {  	_ =	shalt  }
0x47: {  	_ =	shalt  }
0x48: {  	_ =	shalt  }
0x49: {  	_ =	shalt  }
0x4a: {  	_ =	shalt  }
0x4b: {  	_ =	shalt  }
0x4c: {  	_ =	shalt  }
0x4d: {  	_ =	shalt  }
0x4e: {  	_ =	shalt  }
0x4f: {  	_ =	shalt  }
0x50: {  	_ =	shalt  }
0x51: {  	_ =	shalt  }
0x52: {  	_ =	shalt  }
0x53: {  	_ =	shalt  }
0x54: {  	_ =	shalt  }
0x55: {  	_ =	shalt  }
0x56: {  	_ =	shalt  }
0x57: {  	_ =	shalt  }
0x58: {  	_ =	shalt  }
0x59: {  	_ =	shalt  }
0x5a: {  	_ =	shalt  }
0x5b: {  	_ =	shalt  }
0x5c: {  	_ =	shalt  }
0x5d: {  	_ =	shalt  }
0x5e: {  	_ =	shalt  }
0x5f: {  	_ =	shalt  }
0x60: {  	_ =	shalt  }
0x61: {  	_ =	shalt  }
0x62: {  	_ =	shalt  }
0x63: {  	_ =	shalt  }
0x64: {  	_ =	shalt  }
0x65: {  	_ =	shalt  }
0x66: {  	_ =	shalt  }
0x67: {  	_ =	shalt  }
0x68: {  	_ =	shalt  }
0x69: {  	_ =	shalt  }
0x6a: {  	_ =	shalt  }
0x6b: {  	_ =	shalt  }
0x6c: {  	_ =	shalt  }
0x6d: {  	_ =	shalt  }
0x6e: {  	_ =	shalt  }
0x6f: {  	_ =	shalt  }
0x70: {  	_ =	shalt  }
0x71: {  	_ =	shalt  }
0x72: {  	_ =	shalt  }
0x73: {  	_ =	shalt  }
0x74: {  	_ =	shalt  }
0x75: {  	_ =	shalt  }
0x76: {  	_ =	shalt  }
0x77: {  	_ =	shalt  }
0x78: {  	_ =	shalt  }
0x79: {  	_ =	shalt  }
0x7a: {  	_ =	shalt  }
0x7b: {  	_ =	shalt  }
0x7c: {  	_ =	shalt  }
0x7d: {  	_ =	shalt  }
0x7e: {  	_ =	shalt  }
0x7f: {  	_ =	shalt  }
0x80: {  	_ =	shalt  }
0x81: {  	_ =	shalt  }
0x82: {  	_ =	shalt  }
0x83: {  	_ =	shalt  }
0x84: {  	_ =	shalt  }
0x85: {  	_ =	shalt  }
0x86: {  	_ =	shalt  }
0x87: {  	_ =	shalt  }
.Lfunc_end0:
.L_simem_size_0:
called_computation_lowered:
.L_overlay_start_0:
0x88: {  	s2 =	sld [smem:$0x3FD9]  }
0x89: {  	s3 =	sld [smem:$0x3FFE];
	_ =	sdelay $0x1  }
0x8a: {  	s1 =	srdreg.scid  }
0x8b: {  	s0 =	sand.u32 $0x1, s1  }
0x8c: {  	s15 =	sshll.u32 s0, $0xA;
	s2 =	sadd.s32 s3, s2  }
0x8d: {  	s2 =	sadd.s32 s2, s15  }
0x8e: {  	[smem:$0x3FC3] =	sst s2  }
0x8f: {  	_ = 	snop  }
0x90: {  	s2 =	sld [smem:$0x3FD0];
	_ =	sdelay $0x2  }
0x91: {  	s16 =	simm.s32 $0xA;
	s4 =	simm.s32 $0x10  }
0x92: {  	[smem:s4], [sflag:s16] =	dma.local [hbm:s2], $0x1  }
0x93: {  	_ =	swait.eq [sflag:s16], $0x1  }
0x94: {  	[sflag:s16] =	ssyncset.done $0x0  }
0x95: {  	s17 =	sld [smem:$0x11];
	[sflag:s16] =	ssyncadd.s32 $0xFFFFFFFF  }
0x96: {  	s18 =	sld [smem:$0x15];
	(tm) =	ssettm $0x1  }
0x97: {  	s19 =	sld [smem:$0x3FFB];
	_ =	sdelay $0x3  }
0x98: {  	_ =	strace s19  }
0x99: {  	s4 =	sld [smem:$0x3FFC];
	_ =	sdelay $0x3  }
0x9a: {  	_ =	strace s4  }
0x9b: {  	s4 =	sld [smem:$0x3FFD];
	_ =	sdelay $0x3  }
0x9c: {  	_ =	strace s4  }
0x9d: {  	_ =	strace $0x8FFFFFFF  }
0x9e: {  	s20 =	sld [smem:$0x3FDB];
	_ =	sdelay $0x1  }
0x9f: {  	s5 =	simm.s32 $_scs_section_size  }
0xa0: {  	s6 =	simm.s32 $_size__tile_overlayer_lowered;
	s7 =	simm.s32 $_tile_overlayer_lowered  }
0xa1: {  	s23 =	simm.s32 $0x1BFF;
	s22 =	sshll.u32 s7, $0x1;
	s4 =	sadd.s32 s5, s20  }
0xa2: {  	s8 =	simm.s32 $0x0;
	s21 =	sshll.u32 s6, $0x1;
	s6 =	sadd.s32 s22, s4  }
0xa3: {  	[timem:s8], [sflag:s23] =	dma.local [hbm:s6], s21  }
0xa4: {  	_ =	swait.ge [sflag:s23], s21  }
0xa5: {  	s5 =	ssub.s32 $0x0, s21;
	[sflag:s23] =	ssyncset.done $0x0  }
0xa6: {  	[sflag:s23] =	ssyncadd.s32 s5;
	_ =	sdelay $0x1  }
0xa7: {  	s24 =	simm.s32 $0x1B8B  }
0xa8: {  	_ =	swait.ge [sflag:s24], $0x1  }
0xa9: {  	[sflag:s24] =	ssyncset.done $0x0  }
0xaa: {  	s25 =	simm.s32 $0x1B8E;
	[sflag:s24] =	ssyncadd.s32 $0xFFFFFFFF  }
0xab: {  	s26 =	simm.s32 $execute0_lowered;
	[smem:$0x3FD2] =	sst s25  }
0xac: {  	s5 =	sshll.u32 s26, $0x1;
	_ =	strace $0x80000046;
	[dreg:$0x1] =	wrdreg $0xFFFFFFFF  }
0xad: {  	s28 =	simm.s32 $_size_execute0_lowered;
	s4 =	sadd.s32 s4, s5;
	[dreg:$0x0] =	wrdreg $0x0  }
0xae: {  	s5 =	sshll.u32 s28, $0x1;
	[dreg:$0x2] =	wrdreg s4  }
0xaf: {  	[dreg:$0x3] =	wrdreg s5  }
0xb0: {  	[dreg:$0x4] =	wrdreg $0xC0  }
0xb1: {  	_ =	task [dreg:s8], $0x5FFFF  }
0xb2: {  	[dreg:$0x1] =	wrdreg $0xFFFFFFFF  }
0xb3: {  	[dreg:$0x0] =	wrdreg $0x60  }
0xb4: {  	[dreg:$0x2] =	wrdreg s18  }
0xb5: {  	[dreg:$0x3] =	wrdreg s17  }
0xb6: {  	[dreg:$0x4] =	wrdreg $0x9  }
0xb7: {  	_ =	task.clear_ibuf [dreg:s8], $0x5FFFF;
	_ =	strace $0x90000046  }
0xb8: {  	s29 =	simm.s32 $0x9;
	_ =	strace $0x80000048  }
0xb9: {  	_ =	swait.ge [sflag:s29], $0x1  }
0xba: {  	[sflag:s29] =	ssyncadd.s32 $0xFFFFFFFF  }
0xbb: {  	_ =	strace $0x90000048  }
0xbc: {  	_ =	sfence  }
0xbd: {  	s30 =	sld [smem:$0x0];
	_ =	sdelay $0x2  }
0xbe: {  	s31 =	sshll.u32 s1, $0xD;
	s1 =	sshrl.u32 s1, $0x2  }
0xbf: {  	s3 =	sand.u32 $0x4000, s31;
	s1 =	sadd.s32 s1, s30  }
0xc0: {  	s0 =	sor.u32 s3, s0;
	s1 =	sshll.u32 s1, $0x11  }
0xc1: {  	s0 =	sor.u32 s1, s0  }
0xc2: {  	s0 =	sadd.s32 $0x8F2B, s0  }
0xc3: {  	[sflag:s0] =	ssyncadd.remote.s32 $0x1  }
0xc4: {  	_ =	sfence.sel $0xFFFF  }
0xc5: {  	[dreg:$0x0] =	wrdreg $0xFFFFFFFF;
	(pc) =	sbr.abs _section_cstart, $3  }
0xc6: {  	[dreg:$0x1] =	wrdreg $0xFFFFFFFF  }
0xc7: {  	_ =	task.clear_ibuf [dreg:s8], $0x2FFFF;
	_ =	strace $0x9FFFFFFF  }
0xc8: {  	(tm) =	ssettm $0x7FFFFFFF  }
0xc9: {  	_ =	shalt  }
tec
execute0_lowered:
.L_overlay_start_1:
0x0: {  	(tag) =	ssettag $0x1  }
0x1: {  	s1 =	stileid.u32  }
0x2: {  	p0 =	sgt.u32 s1, $0x5  }
.Ltmp0:
0x3: {  	_ = 	snop;
	(pc) =	sbr.rel @p0 .LBB2_4-.Ltmp0, $4  }
0x4: {  	s3 =	rddreg [dreg:$0x0]  }
0x5: {  	s7 =	rddreg [dreg:$0x1];
	s2 =	simm.s32 $0x0  }
0x6: {  	[smem:$0x7FF] =	sst s2  }
0x7: {  	s0 =	rddreg [dreg:$0x2];
	_ =	strace $0x80000047  }
0x8: {  	s4 =	srdreg.scid  }
0x9: {  	s29 =	sshll.u32 s1, $0x1;
	s6 =	sshrl.u32 s1, $0x1;
	s8 =	sand.u32 $0x1, s4  }
0xa: {  	s30 =	sshll.u32 s6, $0x2;
	s9 =	sor.u32 s8, s29  }
0xb: {  	s4 =	ssub.s32 s9, s30  }
0xc: {  	s4 =	smul.u32 $0x3, s4;
	_ =	sdelay $0x1  }
0xd: {  	s4 =	sadd.s32 s6, s4  }
0xe: {  	s4 =	sshll.u32 s4, $0x1  }
0xf: {  	s4 =	sand.u32 $0x1FFFFFFE, s4  }
0x10: {  	s4 =	sadd.s32 s3, s4;
	s3 =	simm.s32 $0x1  }
0x11: {  	[tilespmem:s2], [sflag:$0x1] =	stream.linear.gather [hbm4b:s4+s2], $0x10, $0x38;
	[tilespmem:$0x280] =	vst v63  }
0x12: {  	_ =	swait.ge [sflag:s3], $0x10  }
0x13: {  	[sflag:s3] =	ssyncset.done $0x0  }
0x14: {  	[sflag:s3] =	ssyncadd.s32 $0xFFFFFFF0  }
0x15: {  	v3 =	vld [tilespmem:$0x0];
	_ =	sdelay $0x3  }
0x16: {  	v0 =	vlaneseq.u32  }
0x17: {  	(xrf1) =	vsort.dscd.msk.f32 $0xffff, v3, v0;
	_ =	sdelay $0xd  }
0x18: {  	_, v6, _ =	vpop (xrf1)  }
0x19: {  	v1 =	vimm.s32 $0xEFCDAB89;
	v2 =	vimm.s32 $0x67452301  }
0x1a: {  	v1 =	vunpack.c.l.s4.s8 v1;
	v2 =	vunpack.c.l.s4.s8 v2  }
0x1b: {  	s5 =	simm.s32 $0x180  }
0x1c: {  	v1 =	vunpack.c.0.s8.s32 v1;
	v2 =	vunpack.c.0.s8.s32 v2;
	[tilespmem:v6+s5+$0x0] =	vst.idx.msk $0xffff, v0  }
0x1d: {  	v4 =	vld [tilespmem:$0x180]  }
0x1e: {  	s10 =	simm.s32 $0x4;
	p0 =	seq.s32 s6, $0x1;
	v1 =	vcombine.low v2, v1  }
0x1f: {  	p1 =	seq.s32 s6, $0x0;
	s10 =	simm.s32 @!p0 $0x6  }
0x20: {  	s10 =	simm.s32 @p1 $0x8;
	v1 =	vand.u32 $0xF, v1  }
0x21: {  	v5 =	vimm.s32 $0xDCFE98BA;
	v7 =	vimm.s32 $0x54761032;
	v2 =	vmov s10  }
0x22: {  	v5 =	vunpack.c.l.s4.s8 v5;
	v7 =	vunpack.c.l.s4.s8 v7;
	vm0 =	vlt.s32 v4, v2  }
0x23: {  	v8 =	vnsel vm0, $0x0, v3  }
0x24: {  	s6 =	simm.s32 $0x200;
	v4 =	vunpack.c.0.s8.s32 v7;
	v3 =	vunpack.c.0.s8.s32 v5;
	[tilespmem:$0x200] =	vst v8  }
0x25: {  	v5 =	vld.idx.msk [tilespmem:v1+s6+$0x0], $0xffff  }
0x26: {  	v3 =	vcombine.low v4, v3;
	_ =	sdelay $0x1  }
0x27: {  	v3 =	vand.u32 $0xF, v3  }
0x28: {  	v7 =	vimm.s32 $0x32107654;
	v4 =	vimm.s32 $0xBA98FEDC  }
0x29: {  	v7 =	vunpack.c.l.s4.s8 v7;
	v4 =	vunpack.c.l.s4.s8 v4;
	v5 =	vadd.f32 v5, v8;
	_ =	sdelay $0x1  }
0x2a: {  	v7 =	vunpack.c.0.s8.s32 v7;
	v4 =	vunpack.c.0.s8.s32 v4;
	[tilespmem:$0x200] =	vst v5  }
0x2b: {  	v9 =	vld.idx.msk [tilespmem:v3+s6+$0x0], $0xffff  }
0x2c: {  	v4 =	vcombine.low v7, v4;
	_ =	sdelay $0x1  }
0x2d: {  	v4 =	vand.u32 $0xF, v4  }
0x2e: {  	v7 =	vimm.s32 $0xFEDCBA98  }
0x2f: {  	v10 =	vimm.s32 $0x76543210;
	v7 =	vunpack.c.l.s4.s8 v7;
	v9 =	vadd.f32 v9, v5  }
0x30: {  	v5 =	vunpack.c.l.s4.s8 v10  }
0x31: {  	v7 =	vunpack.c.0.s8.s32 v7;
	[tilespmem:$0x200] =	vst v9  }
0x32: {  	v5 =	vunpack.c.0.s8.s32 v5;
	v62 =	vld.idx.msk [tilespmem:v4+s6+$0x0], $0xffff  }
0x33: {  	v7 =	vand.u32 $0xF, v7  }
0x34: {  	v5 =	vcombine.low v7, v5;
	_ =	sdelay $0x2  }
0x35: {  	v7 =	vadd.f32 v62, v9;
	_ =	sdelay $0x1  }
0x36: {  	[tilespmem:$0x200] =	vst v7  }
0x37: {  	v63 =	vld.idx.msk [tilespmem:v5+s6+$0x0], $0xffff;
	_ =	sdelay $0x4  }
0x38: {  	v7 =	vadd.f32 v63, v7;
	_ =	sdelay $0x1  }
0x39: {  	v7 =	vadd.f32 $9.999999930e-09, v7;
	_ =	sdelay $0x1  }
0x3a: {  	(erf) = vrcp.f32 v7;
	_ =	sdelay $0x8  }
0x3b: {  	s31 =	ssub.s32 $0x2, s8;
	v7 =	vpop (erf)  }
0x3c: {  	s11 =	sshrl.u32 s31, $0x1;
	v7 =	vmul.f32 v7, v8  }
0x3d: {  	s9 =	sshll.u32 s9, $0x1;
	s10 =	ssub.s32 s31, s11;
	[tilespmem:$0x100] =	vst v6  }
0x3e: {  	s8 =	simm.s32 $0x80;
	s7 =	sadd.s32 s7, s9;
	s11 =	smax.u32 s10, $0x1;
	[tilespmem:$0x80] =	vst v7  }
0x3f: {  	[hbm4b:s7+s2] =	stream.linear.scatter [tilespmem:s8], [sflag:$0x1], $0x10, $0x38;
	[tilespmem:$0x280] =	vst v63  }
0x40: {  	p0 =	sne.s32 s11, $0x1;
	_ =	swait.ge [sflag:s3], $0x10  }
.Ltmp1:
0x41: {  	[sflag:s3] =	ssyncset.done $0x0;
	(pc) =	sbr.rel @!p0 .LBB2_3-.Ltmp1, $4  }
0x42: {  	s9 =	sadd.s32 $0x18, s7;
	s10 =	simm.s32 $0x100;
	[sflag:s3] =	ssyncadd.s32 $0xFFFFFFF0  }
0x43: {  	[hbm4b:s9+s2] =	stream.linear.scatter [tilespmem:s10], [sflag:$0x1], $0x10, $0x38;
	[tilespmem:$0x280] =	vst v63  }
0x44: {  	_ =	swait.ge [sflag:s3], $0x10  }
0x45: {  	s11 =	sadd.s32 $0xFFFFFFFF, s11;
	[sflag:s3] =	ssyncset.done $0x0  }
.LBB2_2:
0x46: {  	p0 =	sne.s32 s11, $0x1;
	s11 =	sadd.s32 $0xFFFFFFFF, s11;
	[sflag:s3] =	ssyncadd.s32 $0xFFFFFFF0  }
0x47: {  	[tilespmem:s2], [sflag:$0x1] =	stream.linear.gather [hbm4b:s4+s2], $0x10, $0x38;
	[tilespmem:$0x280] =	vst v63  }
0x48: {  	_ =	swait.ge [sflag:s3], $0x10  }
0x49: {  	[sflag:s3] =	ssyncset.done $0x0  }
0x4a: {  	[sflag:s3] =	ssyncadd.s32 $0xFFFFFFF0  }
0x4b: {  	v6 =	vld [tilespmem:$0x0];
	_ =	sdelay $0x4  }
0x4c: {  	(xrf1) =	vsort.dscd.msk.f32 $0xffff, v6, v0;
	_ =	sdelay $0xd  }
0x4d: {  	_, v7, _ =	vpop (xrf1);
	_ =	sdelay $0x4  }
0x4e: {  	[tilespmem:v7+s5+$0x0] =	vst.idx.msk $0xffff, v0  }
0x4f: {  	v8 =	vld [tilespmem:$0x180];
	_ =	sdelay $0x4  }
0x50: {  	vm0 =	vlt.s32 v8, v2  }
0x51: {  	v6 =	vnsel vm0, $0x0, v6  }
0x52: {  	[tilespmem:$0x200] =	vst v6  }
0x53: {  	v8 =	vld.idx.msk [tilespmem:v1+s6+$0x0], $0xffff;
	_ =	sdelay $0x5  }
0x54: {  	v8 =	vadd.f32 v8, v6;
	_ =	sdelay $0x1  }
0x55: {  	[tilespmem:$0x200] =	vst v8  }
0x56: {  	v9 =	vld.idx.msk [tilespmem:v3+s6+$0x0], $0xffff;
	_ =	sdelay $0x5  }
0x57: {  	v8 =	vadd.f32 v9, v8;
	_ =	sdelay $0x1  }
0x58: {  	[tilespmem:$0x200] =	vst v8  }
0x59: {  	v9 =	vld.idx.msk [tilespmem:v4+s6+$0x0], $0xffff;
	_ =	sdelay $0x5  }
0x5a: {  	v8 =	vadd.f32 v9, v8;
	_ =	sdelay $0x1  }
0x5b: {  	[tilespmem:$0x200] =	vst v8  }
0x5c: {  	v9 =	vld.idx.msk [tilespmem:v5+s6+$0x0], $0xffff  }
0x5d: {  	[tilespmem:$0x100] =	vst v7;
	_ =	sdelay $0x4  }
0x5e: {  	v7 =	vadd.f32 v9, v8;
	_ =	sdelay $0x1  }
0x5f: {  	v7 =	vadd.f32 $9.999999930e-09, v7;
	_ =	sdelay $0x1  }
0x60: {  	(erf) = vrcp.f32 v7;
	_ =	sdelay $0x8  }
0x61: {  	v7 =	vpop (erf)  }
0x62: {  	v6 =	vmul.f32 v7, v6;
	_ =	sdelay $0x1  }
0x63: {  	[tilespmem:$0x80] =	vst v6  }
0x64: {  	[hbm4b:s7+s2] =	stream.linear.scatter [tilespmem:s8], [sflag:$0x1], $0x10, $0x38;
	[tilespmem:$0x280] =	vst v63  }
0x65: {  	_ =	swait.ge [sflag:s3], $0x10  }
.Ltmp2:
0x66: {  	[sflag:s3] =	ssyncset.done $0x0;
	(pc) =	sbr.rel @p0 .LBB2_2-.Ltmp2, $4  }
0x67: {  	[sflag:s3] =	ssyncadd.s32 $0xFFFFFFF0  }
0x68: {  	[hbm4b:s9+s2] =	stream.linear.scatter [tilespmem:s10], [sflag:$0x1], $0x10, $0x38;
	[tilespmem:$0x280] =	vst v63  }
0x69: {  	_ =	swait.ge [sflag:s3], $0x10  }
0x6a: {  	[sflag:s3] =	ssyncset.done $0x0  }
.LBB2_3:
0x6b: {  	[sflag:s3] =	ssyncadd.s32 $0xFFFFFFF0  }
.LBB2_4:
0x6c: {  	_ =	sfence.sel $0x180000  }
0x6d: {  	[bflag:$0x0] =	sbarrier.arrive $0xFFFF  }
0x6e: {  	p0 =	sne.s32 s1, $0x0;
	_ =	strace $0x90000047  }
0x6f: {  	s0 =	sadd.s32 @!p0 $0x100000, s0;
	[bflag:$0x2] =	sbarrier.arrive $0xFFFF  }
0x70: {  	[sflag:s0] =	ssyncadd.tile.s32 @!p0 $0x1;
	_ =	shalt  }
.Lfunc_end2:
_tile_overlayer_lowered:
.L_overlay_start_2:
0x71: {  	(tag) =	ssettag $0x2  }
0x72: {  	s0 =	rddreg [dreg:$0x0];
	s2 =	stileid.u32  }
0x73: {  	s1 =	rddreg [dreg:$0x1];
	p0 =	sne.s32 s2, $0x0  }
0x74: {  	s3 =	rddreg [dreg:$0x2];
	[bflag:$0x3] =	sbarrier.arrive $0xFFFF;
	s2 =	simm.s32 @!p0 $0x1C01  }
0x75: {  	[timem:s3], [sflag:s2] =	dma.local @!p0 [hbm:s0], s1  }
0x76: {  	s0 =	simm.s32 @!p0 $0x1  }
0x77: {  	_ =	swait.ge @!p0 [sflag:s0], s1  }
0x78: {  	s1 =	ssub.s32 @!p0 $0x0, s1;
	[sflag:s0] =	ssyncset.done @!p0 $0x0  }
0x79: {  	[sflag:s0] =	ssyncadd.s32 @!p0 s1  }
0x7a: {  	[bflag:$0x3] =	sbarrier.arrive $0xFFFF  }
0x7b: {  	_ =	shalt  }

</sc_bundles>
